<compile_context>
chip_gen: v7x
topology: tpu7x:2x2x1
jax: 0.10.2.dev20260603
libtpu: 0.0.44.dev20260713+nightly
codegen_flags: <defaults>
</compile_context>

<pallas_src>
import functools

import jax
import jax.numpy as jnp
from jax import lax
from jax.experimental import pallas as pl
from jax.experimental.pallas import tpu as pltpu
from jax.experimental.pallas import tpu_sc as plsc

BATCH = 16384
USERS = 1000000
ITEMS = 100000

NC = 2
NS = 16
L = 16
NW = NC * NS
BPW = BATCH // NW
CHUNK = 128
NCHUNK = BPW // CHUNK
VPC = CHUNK // L

_mesh = plsc.VectorSubcoreMesh(core_axis_name="c", subcore_axis_name="s")


def _softplus(x):
    t = jnp.exp(-jnp.abs(x))
    g = t * (0.99930147 + t * (-0.48463644 + t * (0.25187601 + t * -0.07389941)))
    g = g + (1.0 + t) * jnp.exp(-g) - 1.0
    return jnp.maximum(x, 0.0) + g


@functools.partial(
    pl.kernel,
    out_type=jax.ShapeDtypeStruct((BATCH,), jnp.float32),
    mesh=_mesh,
    scratch_types=[
        pltpu.VMEM((BPW,), jnp.int32),
        pltpu.VMEM((BPW,), jnp.int32),
        pltpu.VMEM((BPW,), jnp.float32),
        pltpu.VMEM((BPW,), jnp.float32),
        pltpu.VMEM((BPW,), jnp.float32),
        pltpu.VMEM((BPW,), jnp.float32),
        pltpu.VMEM((BPW,), jnp.float32),
        pltpu.SemaphoreType.DMA,
        pltpu.SemaphoreType.DMA((NCHUNK,)),
    ],
)
def _irt_sc(user_hbm, item_hbm, theta_hbm, a_hbm, b_hbm, c_hbm, out_hbm,
            uidx, iidx, tv, av, bv, cv, ov, sem, gsem):
    wid = lax.axis_index("s") * NC + lax.axis_index("c")
    base = wid * BPW

    theta_flat = theta_hbm.at[0]
    a_flat = a_hbm.at[0]
    b_flat = b_hbm.at[0]
    c_flat = c_hbm.at[0]

    iu = pltpu.make_async_copy(user_hbm.at[pl.ds(base, BPW)], uidx, sem)
    ii = pltpu.make_async_copy(item_hbm.at[pl.ds(base, BPW)], iidx, sem)
    iu.start()
    ii.start()
    iu.wait()
    ii.wait()

    def _chunk_copies(j):
        sl = pl.ds(j * CHUNK, CHUNK)
        return (
            pltpu.make_async_copy(theta_flat.at[uidx.at[sl]], tv.at[sl], gsem.at[j]),
            pltpu.make_async_copy(a_flat.at[iidx.at[sl]], av.at[sl], gsem.at[j]),
            pltpu.make_async_copy(b_flat.at[iidx.at[sl]], bv.at[sl], gsem.at[j]),
            pltpu.make_async_copy(c_flat.at[iidx.at[sl]], cv.at[sl], gsem.at[j]),
        )

    def fire(j, carry):
        for cpy in _chunk_copies(j):
            cpy.start()
        return carry

    lax.fori_loop(0, NCHUNK, fire, 0)

    def vbody(i, carry):
        s = pl.ds(i * L, L)
        theta = tv[s]
        a = _softplus(av[s])
        b = bv[s]
        c = 1.0 / (1.0 + jnp.exp(-cv[s]))
        ov[s] = c + (1.0 - c) / (1.0 + jnp.exp(-a * (theta - b)))
        return carry

    def consume(j, carry):
        for cpy in _chunk_copies(j):
            cpy.wait()
        lax.fori_loop(j * VPC, (j + 1) * VPC, vbody, 0)
        oc = pltpu.make_async_copy(
            ov.at[pl.ds(j * CHUNK, CHUNK)],
            out_hbm.at[pl.ds(base + j * CHUNK, CHUNK)],
            sem,
        )
        oc.start()
        return carry

    lax.fori_loop(0, NCHUNK, consume, 0)

    def drain(j, carry):
        pltpu.make_async_copy(
            ov.at[pl.ds(j * CHUNK, CHUNK)],
            out_hbm.at[pl.ds(base + j * CHUNK, CHUNK)],
            sem,
        ).wait()
        return carry

    lax.fori_loop(0, NCHUNK, drain, 0)


def kernel(user, item, theta_w, a_w, b_w, c_w):
    return _irt_sc(
        user,
        item,
        theta_w.reshape(1, USERS),
        a_w.reshape(1, ITEMS),
        b_w.reshape(1, ITEMS),
        c_w.reshape(1, ITEMS),
    )

# --- scband reference (transcript-rebuilt; emitter-appended) ---
"""Pipeline reference for scband-irtnet-43224550867556 (READ-ONLY COPY).

The authoritative reference and input builder live on the scoring server;
editing this copy changes nothing except your own understanding.
"""

import jax, jax.numpy as jnp
import numpy as np

USER_NUM = 1000000
ITEM_NUM = 100000
BATCH = 16384


def setup_inputs(seed: int = 0) -> dict:
    key = jax.random.key(seed)
    k1, k2, k3, k4, k5, k6 = jax.random.split(key, 6)
    user = jax.random.randint(k1, (BATCH,), 0, USER_NUM, dtype=jnp.int64 if jax.config.jax_enable_x64 else jnp.int32)
    item = jax.random.randint(k2, (BATCH,), 0, ITEM_NUM, dtype=jnp.int64 if jax.config.jax_enable_x64 else jnp.int32)
    theta_w = jax.random.normal(k3, (USER_NUM, 1), dtype=jnp.float32)
    a_w = jax.random.normal(k4, (ITEM_NUM, 1), dtype=jnp.float32)
    b_w = jax.random.normal(k5, (ITEM_NUM, 1), dtype=jnp.float32)
    c_w = jax.random.normal(k6, (ITEM_NUM, 1), dtype=jnp.float32)
    return {"user": user, "item": item, "theta_w": theta_w, "a_w": a_w, "b_w": b_w, "c_w": c_w}


def irt3pl(theta, a, b, c):
    return c + (1.0 - c) / (1.0 + jnp.exp(-a * (theta - b)))


def reference(user, item, theta_w, a_w, b_w, c_w):
    # embedding lookups (gather), then squeeze the size-1 embedding dim
    theta = jnp.squeeze(jnp.take(theta_w, user, axis=0), axis=-1)
    a = jnp.squeeze(jnp.take(a_w, item, axis=0), axis=-1)
    b = jnp.squeeze(jnp.take(b_w, item, axis=0), axis=-1)
    c = jnp.squeeze(jnp.take(c_w, item, axis=0), axis=-1)
    c = jax.nn.sigmoid(c)
    # value_range is None and a_range is None -> softplus on a, theta/b unchanged
    a = jax.nn.softplus(a)
    return irt3pl(theta, a, b, c)

if __name__ == "__main__":
    import jax
    _d = setup_inputs()
    print(jax.jit(kernel)(*tuple(_d.values())))

</pallas_src>

<mosaic_0001>
#map = affine_map<(d0, d1) -> (0)>
#map1 = affine_map<(d0, d1) -> (0, 0)>
module attributes {stable_mosaic.version = 14 : i64} {
  func.func @_irt_sc(%arg0: i32, %arg1: i32, %arg2: memref<16384xi32, #tpu.memory_space<hbm>>, %arg3: memref<16384xi32, #tpu.memory_space<hbm>>, %arg4: memref<1x1000000xf32, #tpu.memory_space<hbm>>, %arg5: memref<1x100000xf32, #tpu.memory_space<hbm>>, %arg6: memref<1x100000xf32, #tpu.memory_space<hbm>>, %arg7: memref<1x100000xf32, #tpu.memory_space<hbm>>, %arg8: memref<16384xf32, #tpu.memory_space<hbm>>, %arg9: memref<512xi32, #tpu.memory_space<vmem>>, %arg10: memref<512xi32, #tpu.memory_space<vmem>>, %arg11: memref<512xf32, #tpu.memory_space<vmem>>, %arg12: memref<512xf32, #tpu.memory_space<vmem>>, %arg13: memref<512xf32, #tpu.memory_space<vmem>>, %arg14: memref<512xf32, #tpu.memory_space<vmem>>, %arg15: memref<512xf32, #tpu.memory_space<vmem>>, %arg16: memref<!tpu.dma_semaphore, #tpu.memory_space<semaphore_mem>>, %arg17: memref<4x!tpu.dma_semaphore, #tpu.memory_space<semaphore_mem>>) attributes {dimension_semantics = [#tpu.dimension_semantics<core_parallel>, #tpu.dimension_semantics<subcore_parallel>], iteration_bounds = array<i64: 2, 16>, scalar_prefetch = 0 : i64, scratch_operands = 9 : i64, tpu.core_type = #tpu.core_type<sc_vector_subcore>, window_params = [{transform_indices = #map}, {transform_indices = #map}, {transform_indices = #map1}, {transform_indices = #map1}, {transform_indices = #map1}, {transform_indices = #map1}, {transform_indices = #map}]} {
    %mul3A = arith.constant 2 : i32
    %mul3A_0 = arith.muli %arg1, %mul3A : i32
    %add3A = arith.addi %mul3A_0, %arg0 : i32
    %mul3A_1 = arith.constant 512 : i32
    %mul3A_2 = arith.muli %add3A, %mul3A_1 : i32
    %dma_start3A = tpu.memref_slice %arg2[%mul3A_2] : memref<16384xi32, #tpu.memory_space<hbm>> -> memref<512xi32, #tpu.memory_space<hbm>>
    %dma_start3A_3 = tpu.memref_slice %arg2[%mul3A_2] : memref<16384xi32, #tpu.memory_space<hbm>> -> memref<512xi32, #tpu.memory_space<hbm>>
    tpu.enqueue_dma source(%dma_start3A_3 : memref<512xi32, #tpu.memory_space<hbm>>) target(%arg9 : memref<512xi32, #tpu.memory_space<vmem>>) target_semaphore(%arg16 : memref<!tpu.dma_semaphore, #tpu.memory_space<semaphore_mem>>)
    %dma_start3A_4 = tpu.memref_slice %arg3[%mul3A_2] : memref<16384xi32, #tpu.memory_space<hbm>> -> memref<512xi32, #tpu.memory_space<hbm>>
    %dma_start3A_5 = tpu.memref_slice %arg3[%mul3A_2] : memref<16384xi32, #tpu.memory_space<hbm>> -> memref<512xi32, #tpu.memory_space<hbm>>
    tpu.enqueue_dma source(%dma_start3A_5 : memref<512xi32, #tpu.memory_space<hbm>>) target(%arg10 : memref<512xi32, #tpu.memory_space<vmem>>) target_semaphore(%arg16 : memref<!tpu.dma_semaphore, #tpu.memory_space<semaphore_mem>>)
    %dma_wait3A = tpu.memref_slice %arg2[%mul3A_2] : memref<16384xi32, #tpu.memory_space<hbm>> -> memref<512xi32, #tpu.memory_space<hbm>>
    %dma_wait3A_6 = tpu.memref_slice %arg2[%mul3A_2] : memref<16384xi32, #tpu.memory_space<hbm>> -> memref<512xi32, #tpu.memory_space<hbm>>
    tpu.wait_dma2 semaphore(%arg16 : memref<!tpu.dma_semaphore, #tpu.memory_space<semaphore_mem>>) src(%dma_wait3A_6 : memref<512xi32, #tpu.memory_space<hbm>>) dst(%arg9 : memref<512xi32, #tpu.memory_space<vmem>>)
    %dma_wait3A_7 = tpu.memref_slice %arg3[%mul3A_2] : memref<16384xi32, #tpu.memory_space<hbm>> -> memref<512xi32, #tpu.memory_space<hbm>>
    %dma_wait3A_8 = tpu.memref_slice %arg3[%mul3A_2] : memref<16384xi32, #tpu.memory_space<hbm>> -> memref<512xi32, #tpu.memory_space<hbm>>
    tpu.wait_dma2 semaphore(%arg16 : memref<!tpu.dma_semaphore, #tpu.memory_space<semaphore_mem>>) src(%dma_wait3A_8 : memref<512xi32, #tpu.memory_space<hbm>>) dst(%arg10 : memref<512xi32, #tpu.memory_space<vmem>>)
    %scan3A = arith.constant 0 : i32
    %scan3A_9 = arith.constant 0 : i32
    %scan3A_10 = arith.constant 0 : i32
    %scan3A_11 = arith.constant 0 : i32
    %scan3A_12 = arith.constant 0 : i32
    %scan3A_13 = arith.constant 0 : i32
    %scan3A_14 = arith.constant 4 : i32
    %scan3A_15 = arith.addi %scan3A_13, %scan3A_14 : i32
    %scan3A_16 = arith.constant 1 : i32
    scf.for %scan3A_34 = %scan3A_13 to %scan3A_15 step %scan3A_16  : i32 {
      %mul3A_35 = arith.constant 128 : i32
      %mul3A_36 = arith.muli %scan3A_34, %mul3A_35 : i32
      %dma_start3A_37 = tpu.memref_slice %arg11[%mul3A_36] : memref<512xf32, #tpu.memory_space<vmem>> -> memref<128xf32, #tpu.memory_space<vmem>>
      %dma_start3A_38 = tpu.memref_slice %arg9[%mul3A_36] : memref<512xi32, #tpu.memory_space<vmem>> -> memref<128xi32, #tpu.memory_space<vmem>>
      %dma_start3A_39 = arith.constant 0 : i32
      %dma_start3A_40 = tpu.memref_slice %arg4[%scan3A_9, %dma_start3A_39] : memref<1x1000000xf32, #tpu.memory_space<hbm>> -> memref<1x1000000xf32, #tpu.memory_space<hbm>>
      %dma_start3A_41 = tpu.memref_squeeze %dma_start3A_40 : memref<1x1000000xf32, #tpu.memory_space<hbm>> -> memref<1000000xf32, #tpu.memory_space<hbm>>
      %dma_start3A_42 = arith.constant 0 : i32
      %dma_start3A_43 = tpu.memref_slice %dma_start3A_41[%dma_start3A_42] : memref<1000000xf32, #tpu.memory_space<hbm>> -> memref<1000000xf32, #tpu.memory_space<hbm>>
      %dma_start3A_44 = tpu.memref_slice %arg17[%scan3A_34] : memref<4x!tpu.dma_semaphore, #tpu.memory_space<semaphore_mem>> -> memref<1x!tpu.dma_semaphore, #tpu.memory_space<semaphore_mem>>
      %dma_start3A_45 = tpu.memref_squeeze %dma_start3A_44 : memref<1x!tpu.dma_semaphore, #tpu.memory_space<semaphore_mem>> -> memref<!tpu.dma_semaphore, #tpu.memory_space<semaphore_mem>>
      tpu.enqueue_indirect_dma source(%dma_start3A_43 : memref<1000000xf32, #tpu.memory_space<hbm>>) target(%dma_start3A_37 : memref<128xf32, #tpu.memory_space<vmem>>) offsets(%dma_start3A_38 : memref<128xi32, #tpu.memory_space<vmem>>) semaphore(%dma_start3A_45 : memref<!tpu.dma_semaphore, #tpu.memory_space<semaphore_mem>>)
      %dma_start3A_46 = tpu.memref_slice %arg12[%mul3A_36] : memref<512xf32, #tpu.memory_space<vmem>> -> memref<128xf32, #tpu.memory_space<vmem>>
      %dma_start3A_47 = tpu.memref_slice %arg10[%mul3A_36] : memref<512xi32, #tpu.memory_space<vmem>> -> memref<128xi32, #tpu.memory_space<vmem>>
      %dma_start3A_48 = arith.constant 0 : i32
      %dma_start3A_49 = tpu.memref_slice %arg5[%scan3A_10, %dma_start3A_48] : memref<1x100000xf32, #tpu.memory_space<hbm>> -> memref<1x100000xf32, #tpu.memory_space<hbm>>
      %dma_start3A_50 = tpu.memref_squeeze %dma_start3A_49 : memref<1x100000xf32, #tpu.memory_space<hbm>> -> memref<100000xf32, #tpu.memory_space<hbm>>
      %dma_start3A_51 = arith.constant 0 : i32
      %dma_start3A_52 = tpu.memref_slice %dma_start3A_50[%dma_start3A_51] : memref<100000xf32, #tpu.memory_space<hbm>> -> memref<100000xf32, #tpu.memory_space<hbm>>
      %dma_start3A_53 = tpu.memref_slice %arg17[%scan3A_34] : memref<4x!tpu.dma_semaphore, #tpu.memory_space<semaphore_mem>> -> memref<1x!tpu.dma_semaphore, #tpu.memory_space<semaphore_mem>>
      %dma_start3A_54 = tpu.memref_squeeze %dma_start3A_53 : memref<1x!tpu.dma_semaphore, #tpu.memory_space<semaphore_mem>> -> memref<!tpu.dma_semaphore, #tpu.memory_space<semaphore_mem>>
      tpu.enqueue_indirect_dma source(%dma_start3A_52 : memref<100000xf32, #tpu.memory_space<hbm>>) target(%dma_start3A_46 : memref<128xf32, #tpu.memory_space<vmem>>) offsets(%dma_start3A_47 : memref<128xi32, #tpu.memory_space<vmem>>) semaphore(%dma_start3A_54 : memref<!tpu.dma_semaphore, #tpu.memory_space<semaphore_mem>>)
      %dma_start3A_55 = tpu.memref_slice %arg13[%mul3A_36] : memref<512xf32, #tpu.memory_space<vmem>> -> memref<128xf32, #tpu.memory_space<vmem>>
      %dma_start3A_56 = tpu.memref_slice %arg10[%mul3A_36] : memref<512xi32, #tpu.memory_space<vmem>> -> memref<128xi32, #tpu.memory_space<vmem>>
      %dma_start3A_57 = arith.constant 0 : i32
      %dma_start3A_58 = tpu.memref_slice %arg6[%scan3A_11, %dma_start3A_57] : memref<1x100000xf32, #tpu.memory_space<hbm>> -> memref<1x100000xf32, #tpu.memory_space<hbm>>
      %dma_start3A_59 = tpu.memref_squeeze %dma_start3A_58 : memref<1x100000xf32, #tpu.memory_space<hbm>> -> memref<100000xf32, #tpu.memory_space<hbm>>
      %dma_start3A_60 = arith.constant 0 : i32
      %dma_start3A_61 = tpu.memref_slice %dma_start3A_59[%dma_start3A_60] : memref<100000xf32, #tpu.memory_space<hbm>> -> memref<100000xf32, #tpu.memory_space<hbm>>
      %dma_start3A_62 = tpu.memref_slice %arg17[%scan3A_34] : memref<4x!tpu.dma_semaphore, #tpu.memory_space<semaphore_mem>> -> memref<1x!tpu.dma_semaphore, #tpu.memory_space<semaphore_mem>>
      %dma_start3A_63 = tpu.memref_squeeze %dma_start3A_62 : memref<1x!tpu.dma_semaphore, #tpu.memory_space<semaphore_mem>> -> memref<!tpu.dma_semaphore, #tpu.memory_space<semaphore_mem>>
      tpu.enqueue_indirect_dma source(%dma_start3A_61 : memref<100000xf32, #tpu.memory_space<hbm>>) target(%dma_start3A_55 : memref<128xf32, #tpu.memory_space<vmem>>) offsets(%dma_start3A_56 : memref<128xi32, #tpu.memory_space<vmem>>) semaphore(%dma_start3A_63 : memref<!tpu.dma_semaphore, #tpu.memory_space<semaphore_mem>>)
      %dma_start3A_64 = tpu.memref_slice %arg14[%mul3A_36] : memref<512xf32, #tpu.memory_space<vmem>> -> memref<128xf32, #tpu.memory_space<vmem>>
      %dma_start3A_65 = tpu.memref_slice %arg10[%mul3A_36] : memref<512xi32, #tpu.memory_space<vmem>> -> memref<128xi32, #tpu.memory_space<vmem>>
      %dma_start3A_66 = arith.constant 0 : i32
      %dma_start3A_67 = tpu.memref_slice %arg7[%scan3A_12, %dma_start3A_66] : memref<1x100000xf32, #tpu.memory_space<hbm>> -> memref<1x100000xf32, #tpu.memory_space<hbm>>
      %dma_start3A_68 = tpu.memref_squeeze %dma_start3A_67 : memref<1x100000xf32, #tpu.memory_space<hbm>> -> memref<100000xf32, #tpu.memory_space<hbm>>
      %dma_start3A_69 = arith.constant 0 : i32
      %dma_start3A_70 = tpu.memref_slice %dma_start3A_68[%dma_start3A_69] : memref<100000xf32, #tpu.memory_space<hbm>> -> memref<100000xf32, #tpu.memory_space<hbm>>
      %dma_start3A_71 = tpu.memref_slice %arg17[%scan3A_34] : memref<4x!tpu.dma_semaphore, #tpu.memory_space<semaphore_mem>> -> memref<1x!tpu.dma_semaphore, #tpu.memory_space<semaphore_mem>>
      %dma_start3A_72 = tpu.memref_squeeze %dma_start3A_71 : memref<1x!tpu.dma_semaphore, #tpu.memory_space<semaphore_mem>> -> memref<!tpu.dma_semaphore, #tpu.memory_space<semaphore_mem>>
      tpu.enqueue_indirect_dma source(%dma_start3A_70 : memref<100000xf32, #tpu.memory_space<hbm>>) target(%dma_start3A_64 : memref<128xf32, #tpu.memory_space<vmem>>) offsets(%dma_start3A_65 : memref<128xi32, #tpu.memory_space<vmem>>) semaphore(%dma_start3A_72 : memref<!tpu.dma_semaphore, #tpu.memory_space<semaphore_mem>>)
    }
    %scan3A_17 = arith.constant 4 : i32
    %scan3A_18 = arith.constant 0 : i32
    %scan3A_19 = arith.constant 0 : i32
    %scan3A_20 = arith.constant 0 : i32
    %scan3A_21 = arith.constant 0 : i32
    %scan3A_22 = arith.constant 0 : i32
    %scan3A_23 = arith.constant 0 : i32
    %scan3A_24 = arith.constant 4 : i32
    %scan3A_25 = arith.addi %scan3A_23, %scan3A_24 : i32
    %scan3A_26 = arith.constant 1 : i32
    scf.for %scan3A_34 = %scan3A_23 to %scan3A_25 step %scan3A_26  : i32 {
      %mul3A_35 = arith.constant 128 : i32
      %mul3A_36 = arith.muli %scan3A_34, %mul3A_35 : i32
      %dma_wait3A_37 = tpu.memref_slice %arg11[%mul3A_36] : memref<512xf32, #tpu.memory_space<vmem>> -> memref<128xf32, #tpu.memory_space<vmem>>
      %dma_wait3A_38 = tpu.memref_slice %arg9[%mul3A_36] : memref<512xi32, #tpu.memory_space<vmem>> -> memref<128xi32, #tpu.memory_space<vmem>>
      %dma_wait3A_39 = arith.constant 0 : i32
      %dma_wait3A_40 = tpu.memref_slice %arg4[%scan3A_19, %dma_wait3A_39] : memref<1x1000000xf32, #tpu.memory_space<hbm>> -> memref<1x1000000xf32, #tpu.memory_space<hbm>>
      %dma_wait3A_41 = tpu.memref_squeeze %dma_wait3A_40 : memref<1x1000000xf32, #tpu.memory_space<hbm>> -> memref<1000000xf32, #tpu.memory_space<hbm>>
      %dma_wait3A_42 = arith.constant 0 : i32
      %dma_wait3A_43 = tpu.memref_slice %dma_wait3A_41[%dma_wait3A_42] : memref<1000000xf32, #tpu.memory_space<hbm>> -> memref<1000000xf32, #tpu.memory_space<hbm>>
      %dma_wait3A_44 = tpu.memref_slice %arg17[%scan3A_34] : memref<4x!tpu.dma_semaphore, #tpu.memory_space<semaphore_mem>> -> memref<1x!tpu.dma_semaphore, #tpu.memory_space<semaphore_mem>>
      %dma_wait3A_45 = tpu.memref_squeeze %dma_wait3A_44 : memref<1x!tpu.dma_semaphore, #tpu.memory_space<semaphore_mem>> -> memref<!tpu.dma_semaphore, #tpu.memory_space<semaphore_mem>>
      tpu.wait_indirect_dma semaphore(%dma_wait3A_45 : memref<!tpu.dma_semaphore, #tpu.memory_space<semaphore_mem>>) src(%dma_wait3A_43 : memref<1000000xf32, #tpu.memory_space<hbm>>) dst(%dma_wait3A_37 : memref<128xf32, #tpu.memory_space<vmem>>)
      %dma_wait3A_46 = tpu.memref_slice %arg12[%mul3A_36] : memref<512xf32, #tpu.memory_space<vmem>> -> memref<128xf32, #tpu.memory_space<vmem>>
      %dma_wait3A_47 = tpu.memref_slice %arg10[%mul3A_36] : memref<512xi32, #tpu.memory_space<vmem>> -> memref<128xi32, #tpu.memory_space<vmem>>
      %dma_wait3A_48 = arith.constant 0 : i32
      %dma_wait3A_49 = tpu.memref_slice %arg5[%scan3A_20, %dma_wait3A_48] : memref<1x100000xf32, #tpu.memory_space<hbm>> -> memref<1x100000xf32, #tpu.memory_space<hbm>>
      %dma_wait3A_50 = tpu.memref_squeeze %dma_wait3A_49 : memref<1x100000xf32, #tpu.memory_space<hbm>> -> memref<100000xf32, #tpu.memory_space<hbm>>
      %dma_wait3A_51 = arith.constant 0 : i32
      %dma_wait3A_52 = tpu.memref_slice %dma_wait3A_50[%dma_wait3A_51] : memref<100000xf32, #tpu.memory_space<hbm>> -> memref<100000xf32, #tpu.memory_space<hbm>>
      %dma_wait3A_53 = tpu.memref_slice %arg17[%scan3A_34] : memref<4x!tpu.dma_semaphore, #tpu.memory_space<semaphore_mem>> -> memref<1x!tpu.dma_semaphore, #tpu.memory_space<semaphore_mem>>
      %dma_wait3A_54 = tpu.memref_squeeze %dma_wait3A_53 : memref<1x!tpu.dma_semaphore, #tpu.memory_space<semaphore_mem>> -> memref<!tpu.dma_semaphore, #tpu.memory_space<semaphore_mem>>
      tpu.wait_indirect_dma semaphore(%dma_wait3A_54 : memref<!tpu.dma_semaphore, #tpu.memory_space<semaphore_mem>>) src(%dma_wait3A_52 : memref<100000xf32, #tpu.memory_space<hbm>>) dst(%dma_wait3A_46 : memref<128xf32, #tpu.memory_space<vmem>>)
      %dma_wait3A_55 = tpu.memref_slice %arg13[%mul3A_36] : memref<512xf32, #tpu.memory_space<vmem>> -> memref<128xf32, #tpu.memory_space<vmem>>
      %dma_wait3A_56 = tpu.memref_slice %arg10[%mul3A_36] : memref<512xi32, #tpu.memory_space<vmem>> -> memref<128xi32, #tpu.memory_space<vmem>>
      %dma_wait3A_57 = arith.constant 0 : i32
      %dma_wait3A_58 = tpu.memref_slice %arg6[%scan3A_21, %dma_wait3A_57] : memref<1x100000xf32, #tpu.memory_space<hbm>> -> memref<1x100000xf32, #tpu.memory_space<hbm>>
      %dma_wait3A_59 = tpu.memref_squeeze %dma_wait3A_58 : memref<1x100000xf32, #tpu.memory_space<hbm>> -> memref<100000xf32, #tpu.memory_space<hbm>>
      %dma_wait3A_60 = arith.constant 0 : i32
      %dma_wait3A_61 = tpu.memref_slice %dma_wait3A_59[%dma_wait3A_60] : memref<100000xf32, #tpu.memory_space<hbm>> -> memref<100000xf32, #tpu.memory_space<hbm>>
      %dma_wait3A_62 = tpu.memref_slice %arg17[%scan3A_34] : memref<4x!tpu.dma_semaphore, #tpu.memory_space<semaphore_mem>> -> memref<1x!tpu.dma_semaphore, #tpu.memory_space<semaphore_mem>>
      %dma_wait3A_63 = tpu.memref_squeeze %dma_wait3A_62 : memref<1x!tpu.dma_semaphore, #tpu.memory_space<semaphore_mem>> -> memref<!tpu.dma_semaphore, #tpu.memory_space<semaphore_mem>>
      tpu.wait_indirect_dma semaphore(%dma_wait3A_63 : memref<!tpu.dma_semaphore, #tpu.memory_space<semaphore_mem>>) src(%dma_wait3A_61 : memref<100000xf32, #tpu.memory_space<hbm>>) dst(%dma_wait3A_55 : memref<128xf32, #tpu.memory_space<vmem>>)
      %dma_wait3A_64 = tpu.memref_slice %arg14[%mul3A_36] : memref<512xf32, #tpu.memory_space<vmem>> -> memref<128xf32, #tpu.memory_space<vmem>>
      %dma_wait3A_65 = tpu.memref_slice %arg10[%mul3A_36] : memref<512xi32, #tpu.memory_space<vmem>> -> memref<128xi32, #tpu.memory_space<vmem>>
      %dma_wait3A_66 = arith.constant 0 : i32
      %dma_wait3A_67 = tpu.memref_slice %arg7[%scan3A_22, %dma_wait3A_66] : memref<1x100000xf32, #tpu.memory_space<hbm>> -> memref<1x100000xf32, #tpu.memory_space<hbm>>
      %dma_wait3A_68 = tpu.memref_squeeze %dma_wait3A_67 : memref<1x100000xf32, #tpu.memory_space<hbm>> -> memref<100000xf32, #tpu.memory_space<hbm>>
      %dma_wait3A_69 = arith.constant 0 : i32
      %dma_wait3A_70 = tpu.memref_slice %dma_wait3A_68[%dma_wait3A_69] : memref<100000xf32, #tpu.memory_space<hbm>> -> memref<100000xf32, #tpu.memory_space<hbm>>
      %dma_wait3A_71 = tpu.memref_slice %arg17[%scan3A_34] : memref<4x!tpu.dma_semaphore, #tpu.memory_space<semaphore_mem>> -> memref<1x!tpu.dma_semaphore, #tpu.memory_space<semaphore_mem>>
      %dma_wait3A_72 = tpu.memref_squeeze %dma_wait3A_71 : memref<1x!tpu.dma_semaphore, #tpu.memory_space<semaphore_mem>> -> memref<!tpu.dma_semaphore, #tpu.memory_space<semaphore_mem>>
      tpu.wait_indirect_dma semaphore(%dma_wait3A_72 : memref<!tpu.dma_semaphore, #tpu.memory_space<semaphore_mem>>) src(%dma_wait3A_70 : memref<100000xf32, #tpu.memory_space<hbm>>) dst(%dma_wait3A_64 : memref<128xf32, #tpu.memory_space<vmem>>)
      %mul3A_73 = arith.constant 8 : i32
      %mul3A_74 = arith.muli %scan3A_34, %mul3A_73 : i32
      %add3A_75 = arith.constant 1 : i32
      %add3A_76 = arith.addi %scan3A_34, %add3A_75 : i32
      %mul3A_77 = arith.constant 8 : i32
      %mul3A_78 = arith.muli %add3A_76, %mul3A_77 : i32
      %while3A = arith.constant 0 : i32
      %while3A_79 = arith.subi %mul3A_78, %mul3A_74 : i32
      %while3A_80 = arith.addi %mul3A_74, %while3A_79 : i32
      %while3A_81 = arith.constant 1 : i32
      %while3A_82 = arith.divsi %while3A_79, %while3A_81 : i32
      %while3A_83 = arith.muli %while3A_82, %while3A_81 : i32
      %while3A_84 = arith.addi %mul3A_74, %while3A_83 : i32
      %while3A_85 = arith.constant 1 : i32
      scf.for %while3A_96 = %mul3A_74 to %while3A_84 step %while3A_85  : i32 {
        %mul3A_97 = arith.constant 16 : i32
        %mul3A_98 = arith.muli %while3A_96, %mul3A_97 : i32
        %get3A = arith.index_cast %mul3A_98 : i32 to index
        %get3A_99 = tpu.vector_load %arg11[%get3A] {strides = array<i32>} : memref<512xf32, #tpu.memory_space<vmem>>, vector<16xf32>,
        %get3A_100 = vector.shape_cast %get3A_99 : vector<16xf32> to vector<16xf32>
        %get3A_101 = arith.index_cast %mul3A_98 : i32 to index
        %get3A_102 = tpu.vector_load %arg12[%get3A_101] {strides = array<i32>} : memref<512xf32, #tpu.memory_space<vmem>>, vector<16xf32>,
        %get3A_103 = vector.shape_cast %get3A_102 : vector<16xf32> to vector<16xf32>
        %abs3A = math.absf %get3A_103 : vector<16xf32>
        %neg3A = arith.constant 0.000000e+00 : f32
        %neg3A_104 = vector.broadcast %neg3A : f32 to vector<16xf32>
        %neg3A_105 = arith.subf %neg3A_104, %abs3A : vector<16xf32>
        %exp3A = math.exp %neg3A_105 : vector<16xf32>
        %mul3A_106 = arith.constant -0.0738994107 : f32
        %mul3A_107 = vector.broadcast %mul3A_106 : f32 to vector<16xf32>
        %mul3A_108 = arith.mulf %exp3A, %mul3A_107 : vector<16xf32>
        %add3A_109 = arith.constant 2.518760e-01 : f32
        %add3A_110 = vector.broadcast %add3A_109 : f32 to vector<16xf32>
        %add3A_111 = arith.addf %add3A_110, %mul3A_108 : vector<16xf32>
        %mul3A_112 = arith.mulf %exp3A, %add3A_111 : vector<16xf32>
        %add3A_113 = arith.constant -0.484636426 : f32
        %add3A_114 = vector.broadcast %add3A_113 : f32 to vector<16xf32>
        %add3A_115 = arith.addf %add3A_114, %mul3A_112 : vector<16xf32>
        %mul3A_116 = arith.mulf %exp3A, %add3A_115 : vector<16xf32>
        %add3A_117 = arith.constant 0.999301493 : f32
        %add3A_118 = vector.broadcast %add3A_117 : f32 to vector<16xf32>
        %add3A_119 = arith.addf %add3A_118, %mul3A_116 : vector<16xf32>
        %mul3A_120 = arith.mulf %exp3A, %add3A_119 : vector<16xf32>
        %add3A_121 = arith.constant 1.000000e+00 : f32
        %add3A_122 = vector.broadcast %add3A_121 : f32 to vector<16xf32>
        %add3A_123 = arith.addf %add3A_122, %exp3A : vector<16xf32>
        %neg3A_124 = arith.constant 0.000000e+00 : f32
        %neg3A_125 = vector.broadcast %neg3A_124 : f32 to vector<16xf32>
        %neg3A_126 = arith.subf %neg3A_125, %mul3A_120 : vector<16xf32>
        %exp3A_127 = math.exp %neg3A_126 : vector<16xf32>
        %mul3A_128 = arith.mulf %add3A_123, %exp3A_127 : vector<16xf32>
        %add3A_129 = arith.addf %mul3A_120, %mul3A_128 : vector<16xf32>
        %sub3A = arith.constant 1.000000e+00 : f32
        %sub3A_130 = vector.broadcast %sub3A : f32 to vector<16xf32>
        %sub3A_131 = arith.subf %add3A_129, %sub3A_130 : vector<16xf32>
        %max3A = arith.constant 0.000000e+00 : f32
        %max3A_132 = vector.broadcast %max3A : f32 to vector<16xf32>
        %max3A_133 = arith.maximumf %get3A_103, %max3A_132 : vector<16xf32>
        %add3A_134 = arith.addf %max3A_133, %sub3A_131 : vector<16xf32>
        %get3A_135 = arith.index_cast %mul3A_98 : i32 to index
        %get3A_136 = tpu.vector_load %arg13[%get3A_135] {strides = array<i32>} : memref<512xf32, #tpu.memory_space<vmem>>, vector<16xf32>,
        %get3A_137 = vector.shape_cast %get3A_136 : vector<16xf32> to vector<16xf32>
        %get3A_138 = arith.index_cast %mul3A_98 : i32 to index
        %get3A_139 = tpu.vector_load %arg14[%get3A_138] {strides = array<i32>} : memref<512xf32, #tpu.memory_space<vmem>>, vector<16xf32>,
        %get3A_140 = vector.shape_cast %get3A_139 : vector<16xf32> to vector<16xf32>
        %neg3A_141 = arith.constant 0.000000e+00 : f32
        %neg3A_142 = vector.broadcast %neg3A_141 : f32 to vector<16xf32>
        %neg3A_143 = arith.subf %neg3A_142, %get3A_140 : vector<16xf32>
        %exp3A_144 = math.exp %neg3A_143 : vector<16xf32>
        %add3A_145 = arith.constant 1.000000e+00 : f32
        %add3A_146 = vector.broadcast %add3A_145 : f32 to vector<16xf32>
        %add3A_147 = arith.addf %add3A_146, %exp3A_144 : vector<16xf32>
        %div3A = arith.constant 1.000000e+00 : f32
        %div3A_148 = vector.broadcast %div3A : f32 to vector<16xf32>
        %div3A_149 = arith.divf %div3A_148, %add3A_147 : vector<16xf32>
        %sub3A_150 = arith.constant 1.000000e+00 : f32
        %sub3A_151 = vector.broadcast %sub3A_150 : f32 to vector<16xf32>
        %sub3A_152 = arith.subf %sub3A_151, %div3A_149 : vector<16xf32>
        %neg3A_153 = arith.constant 0.000000e+00 : f32
        %neg3A_154 = vector.broadcast %neg3A_153 : f32 to vector<16xf32>
        %neg3A_155 = arith.subf %neg3A_154, %add3A_134 : vector<16xf32>
        %sub3A_156 = arith.subf %get3A_100, %get3A_137 : vector<16xf32>
        %mul3A_157 = arith.mulf %neg3A_155, %sub3A_156 : vector<16xf32>
        %exp3A_158 = math.exp %mul3A_157 : vector<16xf32>
        %add3A_159 = arith.constant 1.000000e+00 : f32
        %add3A_160 = vector.broadcast %add3A_159 : f32 to vector<16xf32>
        %add3A_161 = arith.addf %add3A_160, %exp3A_158 : vector<16xf32>
        %div3A_162 = arith.divf %sub3A_152, %add3A_161 : vector<16xf32>
        %add3A_163 = arith.addf %div3A_149, %div3A_162 : vector<16xf32>
        %swap3A = arith.index_cast %mul3A_98 : i32 to index
        %swap3A_164 = tpu.vector_load %arg15[%swap3A] {strides = array<i32>} : memref<512xf32, #tpu.memory_space<vmem>>, vector<16xf32>,
        %swap3A_165 = vector.shape_cast %swap3A_164 : vector<16xf32> to vector<16xf32>
        %swap3A_166 = vector.shape_cast %add3A_163 : vector<16xf32> to vector<16xf32>
        tpu.vector_store %arg15[%swap3A], %swap3A_166 {strides = array<i32>} : memref<512xf32, #tpu.memory_space<vmem>>, vector<16xf32>,
      }
      %while3A_86 = arith.constant 1 : i32
      scf.for %while3A_96 = %while3A_84 to %while3A_80 step %while3A_86  : i32 {
        %mul3A_97 = arith.constant 16 : i32
        %mul3A_98 = arith.muli %while3A_96, %mul3A_97 : i32
        %get3A = arith.index_cast %mul3A_98 : i32 to index
        %get3A_99 = tpu.vector_load %arg11[%get3A] {strides = array<i32>} : memref<512xf32, #tpu.memory_space<vmem>>, vector<16xf32>,
        %get3A_100 = vector.shape_cast %get3A_99 : vector<16xf32> to vector<16xf32>
        %get3A_101 = arith.index_cast %mul3A_98 : i32 to index
        %get3A_102 = tpu.vector_load %arg12[%get3A_101] {strides = array<i32>} : memref<512xf32, #tpu.memory_space<vmem>>, vector<16xf32>,
        %get3A_103 = vector.shape_cast %get3A_102 : vector<16xf32> to vector<16xf32>
        %abs3A = math.absf %get3A_103 : vector<16xf32>
        %neg3A = arith.constant 0.000000e+00 : f32
        %neg3A_104 = vector.broadcast %neg3A : f32 to vector<16xf32>
        %neg3A_105 = arith.subf %neg3A_104, %abs3A : vector<16xf32>
        %exp3A = math.exp %neg3A_105 : vector<16xf32>
        %mul3A_106 = arith.constant -0.0738994107 : f32
        %mul3A_107 = vector.broadcast %mul3A_106 : f32 to vector<16xf32>
        %mul3A_108 = arith.mulf %exp3A, %mul3A_107 : vector<16xf32>
        %add3A_109 = arith.constant 2.518760e-01 : f32
        %add3A_110 = vector.broadcast %add3A_109 : f32 to vector<16xf32>
        %add3A_111 = arith.addf %add3A_110, %mul3A_108 : vector<16xf32>
        %mul3A_112 = arith.mulf %exp3A, %add3A_111 : vector<16xf32>
        %add3A_113 = arith.constant -0.484636426 : f32
        %add3A_114 = vector.broadcast %add3A_113 : f32 to vector<16xf32>
        %add3A_115 = arith.addf %add3A_114, %mul3A_112 : vector<16xf32>
        %mul3A_116 = arith.mulf %exp3A, %add3A_115 : vector<16xf32>
        %add3A_117 = arith.constant 0.999301493 : f32
        %add3A_118 = vector.broadcast %add3A_117 : f32 to vector<16xf32>
        %add3A_119 = arith.addf %add3A_118, %mul3A_116 : vector<16xf32>
        %mul3A_120 = arith.mulf %exp3A, %add3A_119 : vector<16xf32>
        %add3A_121 = arith.constant 1.000000e+00 : f32
        %add3A_122 = vector.broadcast %add3A_121 : f32 to vector<16xf32>
        %add3A_123 = arith.addf %add3A_122, %exp3A : vector<16xf32>
        %neg3A_124 = arith.constant 0.000000e+00 : f32
        %neg3A_125 = vector.broadcast %neg3A_124 : f32 to vector<16xf32>
        %neg3A_126 = arith.subf %neg3A_125, %mul3A_120 : vector<16xf32>
        %exp3A_127 = math.exp %neg3A_126 : vector<16xf32>
        %mul3A_128 = arith.mulf %add3A_123, %exp3A_127 : vector<16xf32>
        %add3A_129 = arith.addf %mul3A_120, %mul3A_128 : vector<16xf32>
        %sub3A = arith.constant 1.000000e+00 : f32
        %sub3A_130 = vector.broadcast %sub3A : f32 to vector<16xf32>
        %sub3A_131 = arith.subf %add3A_129, %sub3A_130 : vector<16xf32>
        %max3A = arith.constant 0.000000e+00 : f32
        %max3A_132 = vector.broadcast %max3A : f32 to vector<16xf32>
        %max3A_133 = arith.maximumf %get3A_103, %max3A_132 : vector<16xf32>
        %add3A_134 = arith.addf %max3A_133, %sub3A_131 : vector<16xf32>
        %get3A_135 = arith.index_cast %mul3A_98 : i32 to index
        %get3A_136 = tpu.vector_load %arg13[%get3A_135] {strides = array<i32>} : memref<512xf32, #tpu.memory_space<vmem>>, vector<16xf32>,
        %get3A_137 = vector.shape_cast %get3A_136 : vector<16xf32> to vector<16xf32>
        %get3A_138 = arith.index_cast %mul3A_98 : i32 to index
        %get3A_139 = tpu.vector_load %arg14[%get3A_138] {strides = array<i32>} : memref<512xf32, #tpu.memory_space<vmem>>, vector<16xf32>,
        %get3A_140 = vector.shape_cast %get3A_139 : vector<16xf32> to vector<16xf32>
        %neg3A_141 = arith.constant 0.000000e+00 : f32
        %neg3A_142 = vector.broadcast %neg3A_141 : f32 to vector<16xf32>
        %neg3A_143 = arith.subf %neg3A_142, %get3A_140 : vector<16xf32>
        %exp3A_144 = math.exp %neg3A_143 : vector<16xf32>
        %add3A_145 = arith.constant 1.000000e+00 : f32
        %add3A_146 = vector.broadcast %add3A_145 : f32 to vector<16xf32>
        %add3A_147 = arith.addf %add3A_146, %exp3A_144 : vector<16xf32>
        %div3A = arith.constant 1.000000e+00 : f32
        %div3A_148 = vector.broadcast %div3A : f32 to vector<16xf32>
        %div3A_149 = arith.divf %div3A_148, %add3A_147 : vector<16xf32>
        %sub3A_150 = arith.constant 1.000000e+00 : f32
        %sub3A_151 = vector.broadcast %sub3A_150 : f32 to vector<16xf32>
        %sub3A_152 = arith.subf %sub3A_151, %div3A_149 : vector<16xf32>
        %neg3A_153 = arith.constant 0.000000e+00 : f32
        %neg3A_154 = vector.broadcast %neg3A_153 : f32 to vector<16xf32>
        %neg3A_155 = arith.subf %neg3A_154, %add3A_134 : vector<16xf32>
        %sub3A_156 = arith.subf %get3A_100, %get3A_137 : vector<16xf32>
        %mul3A_157 = arith.mulf %neg3A_155, %sub3A_156 : vector<16xf32>
        %exp3A_158 = math.exp %mul3A_157 : vector<16xf32>
        %add3A_159 = arith.constant 1.000000e+00 : f32
        %add3A_160 = vector.broadcast %add3A_159 : f32 to vector<16xf32>
        %add3A_161 = arith.addf %add3A_160, %exp3A_158 : vector<16xf32>
        %div3A_162 = arith.divf %sub3A_152, %add3A_161 : vector<16xf32>
        %add3A_163 = arith.addf %div3A_149, %div3A_162 : vector<16xf32>
        %swap3A = arith.index_cast %mul3A_98 : i32 to index
        %swap3A_164 = tpu.vector_load %arg15[%swap3A] {strides = array<i32>} : memref<512xf32, #tpu.memory_space<vmem>>, vector<16xf32>,
        %swap3A_165 = vector.shape_cast %swap3A_164 : vector<16xf32> to vector<16xf32>
        %swap3A_166 = vector.shape_cast %add3A_163 : vector<16xf32> to vector<16xf32>
        tpu.vector_store %arg15[%swap3A], %swap3A_166 {strides = array<i32>} : memref<512xf32, #tpu.memory_space<vmem>>, vector<16xf32>,
      }
      %mul3A_87 = arith.constant 128 : i32
      %mul3A_88 = arith.muli %scan3A_34, %mul3A_87 : i32
      %mul3A_89 = arith.constant 128 : i32
      %mul3A_90 = arith.muli %scan3A_34, %mul3A_89 : i32
      %add3A_91 = arith.addi %mul3A_2, %mul3A_90 : i32
      %dma_start3A_92 = tpu.memref_slice %arg15[%mul3A_88] : memref<512xf32, #tpu.memory_space<vmem>> -> memref<128xf32, #tpu.memory_space<vmem>>
      %dma_start3A_93 = tpu.memref_slice %arg8[%add3A_91] : memref<16384xf32, #tpu.memory_space<hbm>> -> memref<128xf32, #tpu.memory_space<hbm>>
      %dma_start3A_94 = tpu.memref_slice %arg8[%add3A_91] : memref<16384xf32, #tpu.memory_space<hbm>> -> memref<128xf32, #tpu.memory_space<hbm>>
      %dma_start3A_95 = tpu.memref_slice %arg15[%mul3A_88] : memref<512xf32, #tpu.memory_space<vmem>> -> memref<128xf32, #tpu.memory_space<vmem>>
      tpu.enqueue_dma source(%dma_start3A_95 : memref<128xf32, #tpu.memory_space<vmem>>) target(%dma_start3A_94 : memref<128xf32, #tpu.memory_space<hbm>>) target_semaphore(%arg16 : memref<!tpu.dma_semaphore, #tpu.memory_space<semaphore_mem>>)
    }
    %scan3A_27 = arith.constant 4 : i32
    %scan3A_28 = arith.constant 0 : i32
    %scan3A_29 = arith.constant 0 : i32
    %scan3A_30 = arith.constant 4 : i32
    %scan3A_31 = arith.addi %scan3A_29, %scan3A_30 : i32
    %scan3A_32 = arith.constant 1 : i32
    scf.for %scan3A_34 = %scan3A_29 to %scan3A_31 step %scan3A_32  : i32 {
      %mul3A_35 = arith.constant 128 : i32
      %mul3A_36 = arith.muli %scan3A_34, %mul3A_35 : i32
      %mul3A_37 = arith.constant 128 : i32
      %mul3A_38 = arith.muli %scan3A_34, %mul3A_37 : i32
      %add3A_39 = arith.addi %mul3A_2, %mul3A_38 : i32
      %dma_wait3A_40 = tpu.memref_slice %arg15[%mul3A_36] : memref<512xf32, #tpu.memory_space<vmem>> -> memref<128xf32, #tpu.memory_space<vmem>>
      %dma_wait3A_41 = tpu.memref_slice %arg8[%add3A_39] : memref<16384xf32, #tpu.memory_space<hbm>> -> memref<128xf32, #tpu.memory_space<hbm>>
      %dma_wait3A_42 = tpu.memref_slice %arg8[%add3A_39] : memref<16384xf32, #tpu.memory_space<hbm>> -> memref<128xf32, #tpu.memory_space<hbm>>
      %dma_wait3A_43 = tpu.memref_slice %arg15[%mul3A_36] : memref<512xf32, #tpu.memory_space<vmem>> -> memref<128xf32, #tpu.memory_space<vmem>>
      tpu.wait_dma2 semaphore(%arg16 : memref<!tpu.dma_semaphore, #tpu.memory_space<semaphore_mem>>) src(%dma_wait3A_43 : memref<128xf32, #tpu.memory_space<vmem>>) dst(%dma_wait3A_42 : memref<128xf32, #tpu.memory_space<hbm>>)
    }
    %scan3A_33 = arith.constant 4 : i32
    return
  }
}

</mosaic_0001>

<sc_bundles>
// kernel: kernel.3.cloned.1.call-start
scs
__scs_entry_jumppad:
0x0: {  	(pc) =	sbr.rel $0x88, $3  }
0x1: {  	(tag) =	ssettag $0x0;
	lr =	simm.s32 $0x1  }
0x2: {  	[smem:$0x3F9B] =	sst lr;
	_ =	strace $0xD0000000  }
0x3: {  	_ = 	snop  }
0x4: {  	_ = 	snop  }
0x5: {  	_ = 	snop  }
0x6: {  	_ = 	snop  }
0x7: {  	_ = 	snop  }
__scs_overlays_trampoline_lowered:
0x8: {  	[smem:$0x3FAA] =	sst s0  }
0x9: {  	[smem:$0x3FAB] =	sst s1  }
0xa: {  	[smem:$0x3FAC] =	sst s2  }
0xb: {  	[smem:$0x3FAD] =	sst s3  }
0xc: {  	[smem:$0x3FAE] =	sst s4  }
0xd: {  	[smem:$0x3FAF] =	sst s5  }
0xe: {  	[smem:$0x3FB0] =	sst s6  }
0xf: {  	[smem:$0x3FB1] =	sst s7  }
0x10: {  	[smem:$0x3FB2] =	sst s8  }
0x11: {  	[smem:$0x3FB3] =	sst s9;
	s0 =	simm.s32 @!p0 $0x0  }
0x12: {  	s1 =	sld [smem:$0x3F99];
	s0 =	simm.s32 @p0 $0x1  }
0x13: {  	[smem:$0x3FB4] =	sst s0;
	s0 =	simm.s32 @!p1 $0x0  }
0x14: {  	s2 =	sld [smem:$0x3F98];
	s0 =	simm.s32 @p1 $0x1  }
0x15: {  	[smem:$0x3FB5] =	sst s0;
	s0 =	simm.s32 @!p2 $0x0  }
0x16: {  	s3 =	sld [smem:$0x3FDB];
	s0 =	simm.s32 @p2 $0x1  }
0x17: {  	s4 =	simm.s32 $0x1BF5;
	[smem:$0x3FB7] =	sst s0  }
0x18: {  	s0 =	sld [smem:$0x3F9A];
	_ =	swait.ge [sflag:s4], $0x0  }
0x19: {  	s7 =	sld [smem:$0x3F9B]  }
0x1a: {  	s8 =	sadd.s32 $0xFFFFE003, lr  }
0x1b: {  	s9 =	sadd.s32 $0xFFFFFEF7, lr;
	s5 =	simm.s32 $0xFFFFFFFF;
	p2 =	slt.u32 s8, $0xFFFFF086  }
0x1c: {  	p1 =	slt.u32 s9, $0xF7A;
	s5 =	simm.s32 @!p2 $0x0  }
0x1d: {  	s5 =	simm.s32 @p1 $0x1;
	p0 =	seq.s32 s7, s2  }
0x1e: {  	s7 =	smul.u32 @!p0 $0xF7A, s2;
	p2 =	seq.s32 @!p0 s5, $0x0  }
0x1f: {  	s9 =	smul.u32 $0xF7A, s1;
	s8 =	simm.s32 @!p0 $0x1BF5;
	p2 =	por !p2, p0  }
0x20: {  	[sflag:s8] =	ssyncset.s32 @!p0 $0xFFFFF086;
	s6 =	sadd.s32 @!p0 s3, s7;
	s7 =	simm.s32 @!p0 $0x108  }
0x21: {  	s3 =	sadd.s32 s3, s9;
	s6 =	sadd.s32 @!p0 $0x88, s6;
	s7 =	simm.s32 @p2 $0x1082  }
0x22: {  	[simem:s7], [sflag:s8] =	dma.local @!p0 [hbm:s6], $0xF7A  }
0x23: {  	s9 =	sor.u32 $0xD0000000, s2;
	s6 =	simm.s32 $0x108;
	_ =	swait.ge @!p0 [sflag:s8], $0x0  }
0x24: {  	s3 =	sadd.s32 $0x88, s3;
	s6 =	simm.s32 @!p1 $0x1082;
	[sflag:s4] =	ssyncset.s32 $0xFFFFF086  }
0x25: {  	[simem:s6], [sflag:s4] =	dma.local [hbm:s3], $0xF7A  }
0x26: {  	[smem:$0x3F9B] =	sst s1;
	(tag) =	ssettag s2;
	_ =	strace s9  }
0x27: {  	s1 =	sld [smem:$0x3FAB]  }
0x28: {  	s2 =	sld [smem:$0x3FAC]  }
0x29: {  	s4 =	sld [smem:$0x3FAE]  }
0x2a: {  	p0 =	seq.s32 s5, $0x0;
	s5 =	sld [smem:$0x3FAF]  }
0x2b: {  	s6 =	sld [smem:$0x3FB0]  }
0x2c: {  	s7 =	sld [smem:$0x3FB1]  }
0x2d: {  	s3 =	simm.s32 $0x108;
	s8 =	sld [smem:$0x3FB2]  }
0x2e: {  	s3 =	simm.s32 @!p0 $0x1082;
	s9 =	sld [smem:$0x3FB3]  }
0x2f: {  	lr =	sadd.s32 s0, s3;
	s0 =	sld [smem:$0x3FAA]  }
0x30: {  	s3 =	sld [smem:$0x3FAD]  }
0x31: {  	[smem:$0x3FB6] =	sst s10  }
0x32: {  	s10 =	sld [smem:$0x3FB4];
	_ =	sdelay $0x3  }
0x33: {  	p0 =	seq.s32 s10, $0x1;
	s10 =	sld [smem:$0x3FB6];
	_ =	sdelay $0x3  }
0x34: {  	[smem:$0x3FB6] =	sst s10  }
0x35: {  	s10 =	sld [smem:$0x3FB5];
	_ =	sdelay $0x3  }
0x36: {  	p1 =	seq.s32 s10, $0x1;
	s10 =	sld [smem:$0x3FB6];
	_ =	sdelay $0x3  }
0x37: {  	[smem:$0x3FB6] =	sst s10  }
0x38: {  	s10 =	sld [smem:$0x3FB7]  }
0x39: {  	_ = 	snop;
	(pc) =	sbr.ind lr, $3  }
0x3a: {  	_ = 	snop  }
0x3b: {  	_ = 	snop  }
0x3c: {  	p2 =	seq.s32 s10, $0x1;
	s10 =	sld [smem:$0x3FB6]  }
0x3d: {  	_ =	shalt  }
0x3e: {  	_ =	shalt  }
0x3f: {  	_ =	shalt  }
0x40: {  	_ =	shalt  }
0x41: {  	_ =	shalt  }
0x42: {  	_ =	shalt  }
0x43: {  	_ =	shalt  }
0x44: {  	_ =	shalt  }
0x45: {  	_ =	shalt  }
0x46: {  	_ =	shalt  }
0x47: {  	_ =	shalt  }
0x48: {  	_ =	shalt  }
0x49: {  	_ =	shalt  }
0x4a: {  	_ =	shalt  }
0x4b: {  	_ =	shalt  }
0x4c: {  	_ =	shalt  }
0x4d: {  	_ =	shalt  }
0x4e: {  	_ =	shalt  }
0x4f: {  	_ =	shalt  }
0x50: {  	_ =	shalt  }
0x51: {  	_ =	shalt  }
0x52: {  	_ =	shalt  }
0x53: {  	_ =	shalt  }
0x54: {  	_ =	shalt  }
0x55: {  	_ =	shalt  }
0x56: {  	_ =	shalt  }
0x57: {  	_ =	shalt  }
0x58: {  	_ =	shalt  }
0x59: {  	_ =	shalt  }
0x5a: {  	_ =	shalt  }
0x5b: {  	_ =	shalt  }
0x5c: {  	_ =	shalt  }
0x5d: {  	_ =	shalt  }
0x5e: {  	_ =	shalt  }
0x5f: {  	_ =	shalt  }
0x60: {  	_ =	shalt  }
0x61: {  	_ =	shalt  }
0x62: {  	_ =	shalt  }
0x63: {  	_ =	shalt  }
0x64: {  	_ =	shalt  }
0x65: {  	_ =	shalt  }
0x66: {  	_ =	shalt  }
0x67: {  	_ =	shalt  }
0x68: {  	_ =	shalt  }
0x69: {  	_ =	shalt  }
0x6a: {  	_ =	shalt  }
0x6b: {  	_ =	shalt  }
0x6c: {  	_ =	shalt  }
0x6d: {  	_ =	shalt  }
0x6e: {  	_ =	shalt  }
0x6f: {  	_ =	shalt  }
0x70: {  	_ =	shalt  }
0x71: {  	_ =	shalt  }
0x72: {  	_ =	shalt  }
0x73: {  	_ =	shalt  }
0x74: {  	_ =	shalt  }
0x75: {  	_ =	shalt  }
0x76: {  	_ =	shalt  }
0x77: {  	_ =	shalt  }
0x78: {  	_ =	shalt  }
0x79: {  	_ =	shalt  }
0x7a: {  	_ =	shalt  }
0x7b: {  	_ =	shalt  }
0x7c: {  	_ =	shalt  }
0x7d: {  	_ =	shalt  }
0x7e: {  	_ =	shalt  }
0x7f: {  	_ =	shalt  }
0x80: {  	_ =	shalt  }
0x81: {  	_ =	shalt  }
0x82: {  	_ =	shalt  }
0x83: {  	_ =	shalt  }
0x84: {  	_ =	shalt  }
0x85: {  	_ =	shalt  }
0x86: {  	_ =	shalt  }
0x87: {  	_ =	shalt  }
.Lfunc_end0:
.L_simem_size_0:
called_computation_lowered:
.L_overlay_start_0:
0x88: {  	s2 =	sld [smem:$0x3FD9]  }
0x89: {  	s3 =	sld [smem:$0x3FFE];
	_ =	sdelay $0x1  }
0x8a: {  	s1 =	srdreg.scid  }
0x8b: {  	s0 =	sand.u32 $0x1, s1  }
0x8c: {  	s18 =	sshll.u32 s0, $0xA;
	s2 =	sadd.s32 s3, s2  }
0x8d: {  	s2 =	sadd.s32 s2, s18  }
0x8e: {  	[smem:$0x3FC2] =	sst s2  }
0x8f: {  	_ = 	snop  }
0x90: {  	s2 =	sld [smem:$0x3FC9]  }
0x91: {  	s19 =	sld [smem:$0x3FC8]  }
0x92: {  	s4 =	sld [smem:$0x3FC7]  }
0x93: {  	s5 =	sld [smem:$0x3FC6]  }
0x94: {  	s6 =	sld [smem:$0x3FC5]  }
0x95: {  	s7 =	sld [smem:$0x3FC4]  }
0x96: {  	s8 =	sld [smem:$0x3FD0];
	(tm) =	ssettm $0x1  }
0x97: {  	s9 =	sld [smem:$0x3FFB];
	_ =	sdelay $0x3  }
0x98: {  	_ =	strace s9  }
0x99: {  	s9 =	sld [smem:$0x3FFC];
	_ =	sdelay $0x3  }
0x9a: {  	_ =	strace s9  }
0x9b: {  	s9 =	sld [smem:$0x3FFD];
	_ =	sdelay $0x3  }
0x9c: {  	_ =	strace s9  }
0x9d: {  	_ =	strace $0x8FFFFFFF  }
0x9e: {  	s20 =	sld [smem:$0x3FDB];
	_ =	sdelay $0x1  }
0x9f: {  	s10 =	simm.s32 $_scs_section_size  }
0xa0: {  	s11 =	simm.s32 $_size__tile_overlayer_lowered;
	s12 =	simm.s32 $_tile_overlayer_lowered  }
0xa1: {  	s23 =	simm.s32 $0x1BFF;
	s22 =	sshll.u32 s12, $0x1;
	s9 =	sadd.s32 s10, s20  }
0xa2: {  	s13 =	simm.s32 $0x0;
	s21 =	sshll.u32 s11, $0x1;
	s11 =	sadd.s32 s22, s9  }
0xa3: {  	[timem:s13], [sflag:s23] =	dma.local [hbm:s11], s21  }
0xa4: {  	_ =	swait.ge [sflag:s23], s21  }
0xa5: {  	s10 =	ssub.s32 $0x0, s21;
	[sflag:s23] =	ssyncset.done $0x0  }
0xa6: {  	[sflag:s23] =	ssyncadd.s32 s10;
	_ =	sdelay $0x1  }
0xa7: {  	s24 =	simm.s32 $0x1B8B  }
0xa8: {  	_ =	swait.ge [sflag:s24], $0x1  }
0xa9: {  	[sflag:s24] =	ssyncset.done $0x0  }
0xaa: {  	s25 =	simm.s32 $0x1B8E;
	[sflag:s24] =	ssyncadd.s32 $0xFFFFFFFF  }
0xab: {  	s26 =	simm.s32 $execute0_lowered;
	[smem:$0x3FD2] =	sst s25  }
0xac: {  	s10 =	sshll.u32 s26, $0x1;
	_ =	strace $0x80000046;
	[dreg:$0x1] =	wrdreg $0xFFFFFFFF  }
0xad: {  	s28 =	simm.s32 $_size_execute0_lowered;
	s9 =	sadd.s32 s9, s10;
	[dreg:$0x0] =	wrdreg $0x0  }
0xae: {  	s10 =	sshll.u32 s28, $0x1;
	[dreg:$0x2] =	wrdreg s9  }
0xaf: {  	[dreg:$0x3] =	wrdreg s10  }
0xb0: {  	[dreg:$0x4] =	wrdreg $0xC0  }
0xb1: {  	_ =	task [dreg:s13], $0x5FFFF  }
0xb2: {  	[dreg:$0x1] =	wrdreg $0xFFFFFFFF  }
0xb3: {  	[dreg:$0x0] =	wrdreg $0x60  }
0xb4: {  	[dreg:$0x2] =	wrdreg s2  }
0xb5: {  	[dreg:$0x3] =	wrdreg s19  }
0xb6: {  	[dreg:$0x4] =	wrdreg s4  }
0xb7: {  	[dreg:$0x5] =	wrdreg s5  }
0xb8: {  	[dreg:$0x6] =	wrdreg s6  }
0xb9: {  	[dreg:$0x7] =	wrdreg s7  }
0xba: {  	[dreg:$0x8] =	wrdreg s8  }
0xbb: {  	[dreg:$0x9] =	wrdreg $0x9  }
0xbc: {  	_ =	task.clear_ibuf [dreg:s13], $0xAFFFF;
	_ =	strace $0x90000046  }
0xbd: {  	s29 =	simm.s32 $0x9;
	_ =	strace $0x80000048  }
0xbe: {  	_ =	swait.ge [sflag:s29], $0x1  }
0xbf: {  	[sflag:s29] =	ssyncadd.s32 $0xFFFFFFFF  }
0xc0: {  	_ =	strace $0x90000048  }
0xc1: {  	_ =	sfence  }
0xc2: {  	s30 =	sld [smem:$0x0];
	_ =	sdelay $0x2  }
0xc3: {  	s31 =	sshll.u32 s1, $0xD;
	s1 =	sshrl.u32 s1, $0x2  }
0xc4: {  	s3 =	sand.u32 $0x4000, s31;
	s1 =	sadd.s32 s1, s30  }
0xc5: {  	s0 =	sor.u32 s3, s0;
	s1 =	sshll.u32 s1, $0x11  }
0xc6: {  	s0 =	sor.u32 s1, s0  }
0xc7: {  	s0 =	sadd.s32 $0x8F2B, s0  }
0xc8: {  	[sflag:s0] =	ssyncadd.remote.s32 $0x1  }
0xc9: {  	_ =	sfence.sel $0xFFFF  }
0xca: {  	[dreg:$0x0] =	wrdreg $0xFFFFFFFF;
	(pc) =	sbr.abs _section_cstart, $3  }
0xcb: {  	[dreg:$0x1] =	wrdreg $0xFFFFFFFF  }
0xcc: {  	_ =	task.clear_ibuf [dreg:s13], $0x2FFFF;
	_ =	strace $0x9FFFFFFF  }
0xcd: {  	(tm) =	ssettm $0x7FFFFFFF  }
tec
execute0_lowered:
.L_overlay_start_1:
0x0: {  	(tag) =	ssettag $0x1  }
0x1: {  	s0 =	rddreg [dreg:$0x0]  }
0x2: {  	s5 =	rddreg [dreg:$0x1]  }
0x3: {  	s1 =	rddreg [dreg:$0x2]  }
0x4: {  	s2 =	rddreg [dreg:$0x3]  }
0x5: {  	s3 =	rddreg [dreg:$0x4]  }
0x6: {  	s4 =	rddreg [dreg:$0x5]  }
0x7: {  	s6 =	rddreg [dreg:$0x6];
	s8 =	srdreg.scid  }
0x8: {  	s7 =	simm.s32 $0x0;
	s10 =	stileid.u32;
	s12 =	simm.s32 $0x200  }
0x9: {  	s13 =	simm.s32 $0x1;
	s14 =	simm.s32 $0x80;
	s16 =	simm.s32 $0x280  }
0xa: {  	s22 =	simm.s32 $0x300;
	s26 =	simm.s32 $0x180;
	s28 =	simm.s32 $0x580  }
0xb: {  	s29 =	simm.s32 $0x380;
	s30 =	simm.s32 $0x780;
	s8 =	sand.u32 $0x1, s8  }
0xc: {  	s10 =	sshll.u32 s10, $0xA;
	s9 =	ssub.s32 $0x2, s8;
	s8 =	sshll.u32 s8, $0x9  }
0xd: {  	s31 =	simm.s32 $0x980;
	[smem:$0x7FF] =	sst s7;
	s8 =	sor.u32 s8, s10  }
0xe: {  	_ =	strace $0x80000047;
	s11 =	sshrl.u32 s9, $0x1;
	s10 =	sshrl.u32 s8, $0x3  }
0xf: {  	s11 =	ssub.s32 s9, s11;
	s9 =	sadd.s32 s0, s10;
	s10 =	sadd.s32 s5, s10  }
0x10: {  	s11 =	smax.u32 s11, $0x1;
	s0 =	simm.s32 $0xB80;
	s5 =	simm.s32 $0x0  }
.LBB2_1:
0x11: {  	[tilespmem:s7], [sflag:$0x1] =	stream.linear.gather [hbm4b:s9+s7], $0x200, $0x38;
	[tilespmem:$0xE00] =	vst v63  }
0x12: {  	_ = 	snop  }
0x13: {  	[tilespmem:s12], [sflag:$0x1] =	stream.linear.gather [hbm4b:s10+s7], $0x200, $0x38;
	[tilespmem:$0xE00] =	vst v63  }
0x14: {  	_ =	swait.ge [sflag:s13], $0x200  }
0x15: {  	[sflag:s13] =	ssyncset.done $0x0  }
0x16: {  	[sflag:s13] =	ssyncadd.s32 $0xFFFFFE00  }
0x17: {  	_ =	swait.ge [sflag:s13], $0x200  }
0x18: {  	[sflag:s13] =	ssyncset.done $0x0  }
0x19: {  	s15 =	simm.s32 $0x400;
	[sflag:s13] =	ssyncadd.s32 $0xFFFFFE00  }
0x1a: {  	[tilespmem:s15], [sflag:$0x2] =	stream.indirect.gather [hbm4b:s1+s14], $0x1, s7, s14, $0xb8;
	[tilespmem:$0xE00] =	vst v63  }
0x1b: {  	s17 =	simm.s32 $0x600  }
0x1c: {  	[tilespmem:s17], [sflag:$0x2] =	stream.indirect.gather [hbm4b:s2+s14], $0x1, s12, s14, $0xb8;
	[tilespmem:$0xE00] =	vst v63  }
0x1d: {  	s18 =	simm.s32 $0x800  }
0x1e: {  	[tilespmem:s18], [sflag:$0x2] =	stream.indirect.gather [hbm4b:s3+s14], $0x1, s12, s14, $0xb8;
	[tilespmem:$0xE00] =	vst v63  }
0x1f: {  	s19 =	simm.s32 $0xA00  }
0x20: {  	[tilespmem:s19], [sflag:$0x2] =	stream.indirect.gather [hbm4b:s4+s14], $0x1, s12, s14, $0xb8;
	[tilespmem:$0xE00] =	vst v63  }
0x21: {  	s20 =	simm.s32 $0x480  }
0x22: {  	[tilespmem:s20], [sflag:$0x3] =	stream.indirect.gather [hbm4b:s1+s14], $0x1, s14, s14, $0xb8;
	[tilespmem:$0xE00] =	vst v63  }
0x23: {  	s21 =	simm.s32 $0x680  }
0x24: {  	[tilespmem:s21], [sflag:$0x3] =	stream.indirect.gather [hbm4b:s2+s14], $0x1, s16, s14, $0xb8;
	[tilespmem:$0xE00] =	vst v63  }
0x25: {  	s23 =	simm.s32 $0x880  }
0x26: {  	[tilespmem:s23], [sflag:$0x3] =	stream.indirect.gather [hbm4b:s3+s14], $0x1, s16, s14, $0xb8;
	[tilespmem:$0xE00] =	vst v63  }
0x27: {  	s24 =	simm.s32 $0xA80  }
0x28: {  	[tilespmem:s24], [sflag:$0x3] =	stream.indirect.gather [hbm4b:s4+s14], $0x1, s16, s14, $0xb8;
	[tilespmem:$0xE00] =	vst v63  }
0x29: {  	s25 =	simm.s32 $0x100;
	s21 =	simm.s32 $0x500  }
0x2a: {  	[tilespmem:s21], [sflag:$0x4] =	stream.indirect.gather [hbm4b:s1+s14], $0x1, s25, s14, $0xb8;
	[tilespmem:$0xE00] =	vst v63  }
0x2b: {  	s23 =	simm.s32 $0x700  }
0x2c: {  	[tilespmem:s23], [sflag:$0x4] =	stream.indirect.gather [hbm4b:s2+s14], $0x1, s22, s14, $0xb8;
	[tilespmem:$0xE00] =	vst v63  }
0x2d: {  	s24 =	simm.s32 $0x900  }
0x2e: {  	[tilespmem:s24], [sflag:$0x4] =	stream.indirect.gather [hbm4b:s3+s14], $0x1, s22, s14, $0xb8;
	[tilespmem:$0xE00] =	vst v63  }
0x2f: {  	s25 =	simm.s32 $0xB00  }
0x30: {  	[tilespmem:s25], [sflag:$0x4] =	stream.indirect.gather [hbm4b:s4+s14], $0x1, s22, s14, $0xb8;
	[tilespmem:$0xE00] =	vst v63  }
0x31: {  	_ = 	snop  }
0x32: {  	[tilespmem:s28], [sflag:$0x5] =	stream.indirect.gather [hbm4b:s1+s14], $0x1, s26, s14, $0xb8;
	[tilespmem:$0xE00] =	vst v63  }
0x33: {  	_ = 	snop  }
0x34: {  	[tilespmem:s30], [sflag:$0x5] =	stream.indirect.gather [hbm4b:s2+s14], $0x1, s29, s14, $0xb8;
	[tilespmem:$0xE00] =	vst v63  }
0x35: {  	_ = 	snop  }
0x36: {  	[tilespmem:s31], [sflag:$0x5] =	stream.indirect.gather [hbm4b:s3+s14], $0x1, s29, s14, $0xb8;
	[tilespmem:$0xE00] =	vst v63  }
0x37: {  	s20 =	simm.s32 $0xC00;
	s21 =	simm.s32 $0x0  }
0x38: {  	[tilespmem:s0], [sflag:$0x5] =	stream.indirect.gather [hbm4b:s4+s14], $0x1, s29, s14, $0xb8;
	[tilespmem:$0xE00] =	vst v63  }
.LBB2_2:
0x39: {  	s23 =	sadd.s32 $0x2, s21  }
0x3a: {  	_ =	swait.ge [sflag:s23], $0x80  }
0x3b: {  	[sflag:s23] =	ssyncset.done $0x0  }
0x3c: {  	[sflag:s23] =	ssyncadd.s32 $0xFFFFFF80  }
0x3d: {  	_ =	swait.ge [sflag:s23], $0x80  }
0x3e: {  	[sflag:s23] =	ssyncset.done $0x0  }
0x3f: {  	[sflag:s23] =	ssyncadd.s32 $0xFFFFFF80  }
0x40: {  	_ =	swait.ge [sflag:s23], $0x80  }
0x41: {  	v4 =	vmov s17;
	[sflag:s23] =	ssyncset.done $0x0  }
0x42: {  	[sflag:s23] =	ssyncadd.s32 $0xFFFFFF80  }
0x43: {  	_ =	swait.ge [sflag:s23], $0x80  }
0x44: {  	v1 =	vmov s15;
	[sflag:s23] =	ssyncset.done $0x0  }
0x45: {  	v2 =	vmov s18;
	v3 =	vmov s19;
	v0 =	vmov s20;
	s24 =	simm.s32 $0x40;
	[sflag:s23] =	ssyncadd.s32 $0xFFFFFF80;
	s23 =	simm.s32 $0x0  }
.LBB2_3:
0x46: {  	p0 =	sne.s32 s24, $0x1C0;
	v5 =	vld.idx.msk [tilespmem:v4+s23+$0x0 ss:$0x1], $0xffff;
	_ =	sdelay $0x5  }
0x47: {  	v6 =	vand.u32 $0x7FFFFFFF, v5  }
0x48: {  	v6 =	vsub.f32 $0.0e+00, v6;
	_ =	sdelay $0x1  }
0x49: {  	v6 =	vmul.f32 $1.442695020e+00, v6;
	_ =	sdelay $0x1  }
0x4a: {  	(erf) = vpow2.f32 v6;
	_ =	sdelay $0x8  }
0x4b: {  	v6 =	vpop (erf)  }
0x4c: {  	v7 =	vmul.f32 $-7.389941070e-02, v6;
	_ =	sdelay $0x1  }
0x4d: {  	v7 =	vadd.f32 $2.518759970e-01, v7;
	_ =	sdelay $0x1  }
0x4e: {  	v7 =	vmul.f32 v7, v6;
	_ =	sdelay $0x1  }
0x4f: {  	v7 =	vadd.f32 $-4.846364260e-01, v7;
	_ =	sdelay $0x1  }
0x50: {  	v7 =	vmul.f32 v7, v6;
	_ =	sdelay $0x1  }
0x51: {  	v7 =	vadd.f32 $9.993014930e-01, v7;
	_ =	sdelay $0x1  }
0x52: {  	v7 =	vmul.f32 v7, v6;
	_ =	sdelay $0x1  }
0x53: {  	v8 =	vsub.f32 $0.0e+00, v7;
	_ =	sdelay $0x1  }
0x54: {  	v8 =	vmul.f32 $1.442695020e+00, v8;
	_ =	sdelay $0x1  }
0x55: {  	(erf) = vpow2.f32 v8;
	_ =	sdelay $0x7  }
0x56: {  	v6 =	vadd.f32 $1.000000000e+00, v6  }
0x57: {  	v8 =	vpop (erf)  }
0x58: {  	v6 =	vmul.f32 v8, v6;
	v8 =	vld.idx.msk [tilespmem:v3+s23+$0x0 ss:$0x1], $0xffff  }
0x59: {  	v9 =	vld.idx.msk [tilespmem:v2+s23+$0x0 ss:$0x1], $0xffff  }
0x5a: {  	v10 =	vld.idx.msk [tilespmem:v1+s23+$0x0 ss:$0x1], $0xffff;
	v6 =	vadd.f32 v6, v7;
	_ =	sdelay $0x1  }
0x5b: {  	v6 =	vadd.f32 $-1.000000000e+00, v6  }
0x5c: {  	v5 =	vmax.f32 v5, $0.0e+00  }
0x5d: {  	v5 =	vadd.f32 v6, v5  }
0x5e: {  	v6 =	vsub.f32 $0.0e+00, v8  }
0x5f: {  	v7 =	vsub.f32 v10, v9;
	v5 =	vsub.f32 $0.0e+00, v5;
	_ =	sdelay $0x1  }
0x60: {  	v6 =	vmul.f32 $1.442695020e+00, v6;
	v5 =	vmul.f32 v5, v7;
	_ =	sdelay $0x1  }
0x61: {  	v5 =	vmul.f32 $1.442695020e+00, v5;
	(erf) = vpow2.f32 v6;
	_ =	sdelay $0x1  }
0x62: {  	(erf) = vpow2.f32 v5;
	_ =	sdelay $0x6  }
0x63: {  	v5 =	vpop (erf)  }
0x64: {  	v5 =	vadd.f32 $1.000000000e+00, v5  }
0x65: {  	v6 =	vpop (erf)  }
0x66: {  	v6 =	vadd.f32 $1.000000000e+00, v6;
	(erf) = vrcp.f32 v5;
	_ =	sdelay $0x1  }
0x67: {  	(erf) = vrcp.f32 v6;
	_ =	sdelay $0x6  }
0x68: {  	v5 =	vpop (erf)  }
0x69: {  	v6 =	vsub.f32 $1.000000000e+00, v5  }
0x6a: {  	v7 =	vpop (erf)  }
.Ltmp0:
0x6b: {  	v6 =	vmul.f32 v7, v6;
	(pc) =	sbr.rel @p0 .LBB2_3-.Ltmp0, $3  }
0x6c: {  	_ = 	snop  }
0x6d: {  	v5 =	vadd.f32 v6, v5;
	_ =	sdelay $0x1  }
0x6e: {  	[tilespmem:v0+s23+$0x0 ss:$0x1] =	vst.idx.msk $0xffff, v5;
	s23 =	sshra.s32 s24, $0x2;
	s24 =	sadd.s32 $0x40, s24  }
0x6f: {  	_ =	sdelay $0x3  }
0x70: {  	v4 =	vld.idx.msk [tilespmem:v4+s23+$0x0 ss:$0x1], $0xffff;
	_ =	sdelay $0x4  }
0x71: {  	v5 =	vand.u32 $0x7FFFFFFF, v4  }
0x72: {  	v5 =	vsub.f32 $0.0e+00, v5;
	_ =	sdelay $0x1  }
0x73: {  	v5 =	vmul.f32 $1.442695020e+00, v5;
	_ =	sdelay $0x1  }
0x74: {  	(erf) = vpow2.f32 v5;
	_ =	sdelay $0x8  }
0x75: {  	v5 =	vpop (erf)  }
0x76: {  	v6 =	vmul.f32 $-7.389941070e-02, v5;
	_ =	sdelay $0x1  }
0x77: {  	v6 =	vadd.f32 $2.518759970e-01, v6;
	_ =	sdelay $0x1  }
0x78: {  	v6 =	vmul.f32 v6, v5;
	_ =	sdelay $0x1  }
0x79: {  	v6 =	vadd.f32 $-4.846364260e-01, v6;
	_ =	sdelay $0x1  }
0x7a: {  	v6 =	vmul.f32 v6, v5;
	_ =	sdelay $0x1  }
0x7b: {  	v6 =	vadd.f32 $9.993014930e-01, v6;
	_ =	sdelay $0x1  }
0x7c: {  	v6 =	vmul.f32 v6, v5;
	_ =	sdelay $0x1  }
0x7d: {  	v7 =	vsub.f32 $0.0e+00, v6;
	_ =	sdelay $0x1  }
0x7e: {  	v7 =	vmul.f32 $1.442695020e+00, v7;
	_ =	sdelay $0x1  }
0x7f: {  	(erf) = vpow2.f32 v7;
	_ =	sdelay $0x7  }
0x80: {  	v5 =	vadd.f32 $1.000000000e+00, v5  }
0x81: {  	v7 =	vpop (erf)  }
0x82: {  	v5 =	vmul.f32 v7, v5  }
0x83: {  	v3 =	vld.idx.msk [tilespmem:v3+s23+$0x0 ss:$0x1], $0xffff  }
0x84: {  	v2 =	vld.idx.msk [tilespmem:v2+s23+$0x0 ss:$0x1], $0xffff;
	v5 =	vadd.f32 v5, v6  }
0x85: {  	v1 =	vld.idx.msk [tilespmem:v1+s23+$0x0 ss:$0x1], $0xffff  }
0x86: {  	v5 =	vadd.f32 $-1.000000000e+00, v5  }
0x87: {  	v4 =	vmax.f32 v4, $0.0e+00  }
0x88: {  	v4 =	vadd.f32 v5, v4  }
0x89: {  	v3 =	vsub.f32 $0.0e+00, v3  }
0x8a: {  	v1 =	vsub.f32 v1, v2;
	v4 =	vsub.f32 $0.0e+00, v4;
	_ =	sdelay $0x1  }
0x8b: {  	v59 =	vmul.f32 $1.442695020e+00, v3;
	v1 =	vmul.f32 v4, v1;
	_ =	sdelay $0x1  }
0x8c: {  	(erf) = vpow2.f32 v59;
	v1 =	vmul.f32 $1.442695020e+00, v1;
	_ =	sdelay $0x1  }
0x8d: {  	(erf) = vpow2.f32 v1;
	_ =	sdelay $0x6  }
0x8e: {  	v60 =	vpop (erf)  }
0x8f: {  	v1 =	vadd.f32 $1.000000000e+00, v60  }
0x90: {  	v61 =	vpop (erf)  }
0x91: {  	(erf) = vrcp.f32 v1;
	v2 =	vadd.f32 $1.000000000e+00, v61;
	_ =	sdelay $0x1  }
0x92: {  	(erf) = vrcp.f32 v2;
	_ =	sdelay $0x6  }
0x93: {  	v1 =	vpop (erf)  }
0x94: {  	v62 =	vsub.f32 $1.000000000e+00, v1  }
0x95: {  	s24 =	sshll.u32 s21, $0x7;
	s21 =	sadd.s32 $0x1, s21;
	v63 =	vpop (erf)  }
0x96: {  	p0 =	sne.s32 s21, $0x4;
	v2 =	vmul.f32 v63, v62  }
.Ltmp1:
0x97: {  	s15 =	sadd.s32 $0x80, s15;
	(pc) =	sbr.rel @p0 .LBB2_2-.Ltmp1, $4  }
0x98: {  	s17 =	sadd.s32 $0x80, s17;
	s18 =	sadd.s32 $0x80, s18;
	s25 =	sadd.s32 s8, s24;
	v1 =	vadd.f32 v2, v1  }
0x99: {  	s19 =	sadd.s32 $0x80, s19;
	s24 =	sand.u32 $0x3FFFFF80, s24;
	s25 =	sshrl.u32 s25, $0x3  }
0x9a: {  	s20 =	sadd.s32 $0x80, s20;
	s24 =	sadd.s32 $0xC00, s24;
	s25 =	sadd.s32 s6, s25;
	[tilespmem:v0+s23+$0x0 ss:$0x1] =	vst.idx.msk $0xffff, v1  }
0x9b: {  	[hbm4b:s25+s7] =	stream.linear.scatter [tilespmem:s24], [sflag:$0x1], $0x80, $0x38;
	[tilespmem:$0xE00] =	vst v63  }
0x9c: {  	_ =	swait.ge [sflag:s13], $0x80  }
0x9d: {  	[sflag:s13] =	ssyncset.done $0x0  }
0x9e: {  	[sflag:s13] =	ssyncadd.s32 $0xFFFFFF80  }
0x9f: {  	_ =	swait.ge [sflag:s13], $0x80  }
0xa0: {  	[sflag:s13] =	ssyncset.done $0x0  }
0xa1: {  	s5 =	sadd.s32 $0x1, s5;
	[sflag:s13] =	ssyncadd.s32 $0xFFFFFF80  }
0xa2: {  	p0 =	sne.s32 s5, s11;
	_ =	swait.ge [sflag:s13], $0x80  }
.Ltmp2:
0xa3: {  	[sflag:s13] =	ssyncset.done $0x0;
	(pc) =	sbr.rel @p0 .LBB2_1-.Ltmp2, $4  }
0xa4: {  	[sflag:s13] =	ssyncadd.s32 $0xFFFFFF80  }
0xa5: {  	_ =	swait.ge [sflag:s13], $0x80  }
0xa6: {  	[sflag:s13] =	ssyncset.done $0x0  }
0xa7: {  	[sflag:s13] =	ssyncadd.s32 $0xFFFFFF80  }
0xa8: {  	_ =	sfence.sel $0x180000  }
0xa9: {  	[bflag:$0x0] =	sbarrier.arrive $0xFFFF  }
0xaa: {  	_ =	strace $0x90000047  }
0xab: {  	s0 =	stileid.u32;
	[bflag:$0x2] =	sbarrier.arrive $0xFFFF  }
0xac: {  	p0 =	sne.s32 s0, $0x0;
	s0 =	rddreg [dreg:$0x7]  }
0xad: {  	s0 =	sadd.s32 @!p0 $0x100000, s0  }
0xae: {  	[sflag:s0] =	ssyncadd.tile.s32 @!p0 $0x1;
	_ =	shalt  }
.Lfunc_end2:
_tile_overlayer_lowered:
.L_overlay_start_2:
0xaf: {  	(tag) =	ssettag $0x2  }
0xb0: {  	s0 =	rddreg [dreg:$0x0];
	s2 =	stileid.u32  }
0xb1: {  	s1 =	rddreg [dreg:$0x1];
	p0 =	sne.s32 s2, $0x0  }
0xb2: {  	s3 =	rddreg [dreg:$0x2];
	[bflag:$0x3] =	sbarrier.arrive $0xFFFF;
	s2 =	simm.s32 @!p0 $0x1C06  }
0xb3: {  	[timem:s3], [sflag:s2] =	dma.local @!p0 [hbm:s0], s1  }
0xb4: {  	s0 =	simm.s32 @!p0 $0x6  }
0xb5: {  	_ =	swait.ge @!p0 [sflag:s0], s1  }
0xb6: {  	s1 =	ssub.s32 @!p0 $0x0, s1;
	[sflag:s0] =	ssyncset.done @!p0 $0x0  }
0xb7: {  	[sflag:s0] =	ssyncadd.s32 @!p0 s1  }
0xb8: {  	[bflag:$0x3] =	sbarrier.arrive $0xFFFF  }
0xb9: {  	_ =	shalt  }

</sc_bundles>
